<compile_context>
chip_gen: v7x
topology: tpu7x:2x2x1
jax: 0.10.2.dev20260603
libtpu: 0.0.44.dev20260713+nightly
codegen_flags: <defaults>
</compile_context>

<pallas_src>
import functools

import jax
import jax.numpy as jnp
import numpy as np
from jax import lax
from jax.experimental import pallas as pl
from jax.experimental.pallas import tpu as pltpu
from jax.experimental.pallas import tpu_sc as plsc

_IDX = (3, 7, 15, 22, 31, 44, 58, 63, 71, 85, 92, 101, 110, 118, 124, 127)

_NF = 200
_NBC = 128


def kernel(inputs):
    n = inputs.shape[0]
    nw = 32
    assert n == nw * _NBC
    idx_arr = jnp.asarray(np.array(_IDX, dtype=np.int32))
    mesh = plsc.VectorSubcoreMesh(core_axis_name="c", subcore_axis_name="s")

    @functools.partial(
        pl.kernel, mesh=mesh,
        out_type=jax.ShapeDtypeStruct((_NF, 16, n), jnp.float32),
        compiler_params=pltpu.CompilerParams(needs_layout_passes=False),
        scratch_types=[
            pltpu.VMEM((16,), jnp.int32),
            pltpu.VMEM((2, _NBC, 128), jnp.float32),
            pltpu.VMEM((2, 16, _NBC), jnp.float32),
            pltpu.SemaphoreType.DMA((2,)),
            pltpu.SemaphoreType.DMA((2,)),
        ],
    )
    def sc_gather(x_hbm, idx_hbm, out_hbm, idx_v, xbuf, obuf, isem, osem):
        wid = lax.axis_index("s") * 2 + lax.axis_index("c")
        b0 = wid * _NBC
        pltpu.sync_copy(idx_hbm, idx_v)
        idx16 = idx_v[...]
        iota16 = lax.iota(jnp.int32, 16)

        def in_copy(f):
            slot = lax.rem(f, 2)
            return pltpu.make_async_copy(
                x_hbm.at[pl.ds(b0, _NBC), f, :], xbuf.at[slot], isem.at[slot])

        def out_copy(f):
            slot = lax.rem(f, 2)
            return pltpu.make_async_copy(
                obuf.at[slot], out_hbm.at[f, :, pl.ds(b0, _NBC)],
                osem.at[slot])

        def per_f(f, carry):
            slot = lax.rem(f, 2)

            @pl.when(f == 0)
            def _first():
                in_copy(f).start()

            @pl.when(f + 1 < _NF)
            def _prefetch():
                in_copy(f + 1).start()

            @pl.when(f >= 2)
            def _drain_out():
                out_copy(f - 2).wait()

            in_copy(f).wait()
            slotvec = jnp.full((16,), slot, dtype=jnp.int32)

            def per_b(i, c2):
                for j in range(8):
                    b = i * 8 + j
                    bvec = jnp.full((16,), b, dtype=jnp.int32)
                    g = plsc.load_gather(xbuf, [slotvec, bvec, idx16])
                    plsc.store_scatter(obuf, [slotvec, iota16, bvec], g)
                return c2

            lax.fori_loop(0, _NBC // 8, per_b, 0)
            out_copy(f).start()
            return carry

        lax.fori_loop(0, _NF, per_f, 0)
        out_copy(_NF - 2).wait()
        out_copy(_NF - 1).wait()

    out_t = sc_gather(inputs, idx_arr)
    return out_t.transpose(2, 0, 1)

# --- scband reference (transcript-rebuilt; emitter-appended) ---
"""Pipeline reference for scband-discount-feature-extractor-82188494176571 (READ-ONLY COPY).

The authoritative reference and input builder live on the scoring server;
editing this copy changes nothing except your own understanding.
"""

import jax, jax.numpy as jnp
import numpy as np

DISCOUNT_INDICES = jnp.array([3, 7, 15, 22, 31, 44, 58, 63, 71, 85, 92, 101, 110, 118, 124, 127], dtype=jnp.int32)

def setup_inputs(seed: int = 0) -> dict:
    key = jax.random.key(seed)
    inputs = jax.random.normal(key, (4096, 200, 128), dtype=jnp.float32)
    return {"inputs": inputs}

def reference(inputs):
    # Faithful translation of tf.gather(inputs, discount_indices, axis=2)
    return jnp.take(inputs, DISCOUNT_INDICES, axis=2)

if __name__ == "__main__":
    import jax
    _d = setup_inputs()
    print(jax.jit(kernel)(*tuple(_d.values())))

</pallas_src>

<mosaic_0001>
#map = affine_map<(d0, d1) -> (0, 0, 0)>
#map1 = affine_map<(d0, d1) -> (0)>
module attributes {stable_mosaic.version = 14 : i64} {
  func.func @sc_gather(%arg0: i32, %arg1: i32, %arg2: memref<4096x200x128xf32, #tpu.memory_space<hbm>>, %arg3: memref<16xi32, #tpu.memory_space<hbm>>, %arg4: memref<200x16x4096xf32, #tpu.memory_space<hbm>>, %arg5: memref<16xi32, #tpu.memory_space<vmem>>, %arg6: memref<2x128x128xf32, #tpu.memory_space<vmem>>, %arg7: memref<2x16x128xf32, #tpu.memory_space<vmem>>, %arg8: memref<2x!tpu.dma_semaphore, #tpu.memory_space<semaphore_mem>>, %arg9: memref<2x!tpu.dma_semaphore, #tpu.memory_space<semaphore_mem>>) attributes {dimension_semantics = [#tpu.dimension_semantics<core_parallel>, #tpu.dimension_semantics<subcore_parallel>], iteration_bounds = array<i64: 2, 16>, scalar_prefetch = 0 : i64, scratch_operands = 5 : i64, tpu.core_type = #tpu.core_type<sc_vector_subcore>, window_params = [{transform_indices = #map}, {transform_indices = #map1}, {transform_indices = #map}]} {
    %mul3A = arith.constant 2 : i32
    %mul3A_0 = arith.muli %arg1, %mul3A : i32
    %add3A = arith.addi %mul3A_0, %arg0 : i32
    %mul3A_1 = arith.constant 128 : i32
    %mul3A_2 = arith.muli %add3A, %mul3A_1 : i32
    "tpu.region"() ({
      %run_scoped3A = tpu.sem_alloc : memref<!tpu.dma_semaphore, #tpu.memory_space<semaphore_mem>>
      tpu.enqueue_dma source(%arg3 : memref<16xi32, #tpu.memory_space<hbm>>) target(%arg5 : memref<16xi32, #tpu.memory_space<vmem>>) target_semaphore(%run_scoped3A : memref<!tpu.dma_semaphore, #tpu.memory_space<semaphore_mem>>)
      tpu.wait_dma2 semaphore(%run_scoped3A : memref<!tpu.dma_semaphore, #tpu.memory_space<semaphore_mem>>) src(%arg3 : memref<16xi32, #tpu.memory_space<hbm>>) dst(%arg5 : memref<16xi32, #tpu.memory_space<vmem>>)
      tpu.yield
    }) : () -> ()
    %get3A = arith.constant 0 : index
    %get3A_3 = tpu.vector_load %arg5[%get3A] {strides = array<i32>} : memref<16xi32, #tpu.memory_space<vmem>>, vector<16xi32>,
    %iota3A = tpu.iota {dimensions = array<i32: 0>} : vector<16xi32>
    %scan3A = arith.constant 0 : i32
    %scan3A_4 = arith.constant 0 : i32
    %scan3A_5 = arith.constant 200 : i32
    %scan3A_6 = arith.addi %scan3A_4, %scan3A_5 : i32
    %scan3A_7 = arith.constant 1 : i32
    scf.for %scan3A_47 = %scan3A_4 to %scan3A_6 step %scan3A_7  : i32 {
      %rem3A_48 = arith.constant 2 : i32
      %rem3A_49 = arith.remsi %scan3A_47, %rem3A_48 : i32
      %eq3A = arith.constant 0 : i32
      %eq3A_50 = arith.cmpi eq, %scan3A_47, %eq3A : i32
      %convert_element_type3A = arith.extui %eq3A_50 : i1 to i32
      %cond3A = arith.constant 0 : i32
      %cond3A_51 = arith.cmpi ne, %convert_element_type3A, %cond3A : i32
      scf.if %cond3A_51 {
        %rem3A_103 = arith.constant 2 : i32
        %rem3A_104 = arith.remsi %scan3A_47, %rem3A_103 : i32
        %dma_start3A_105 = arith.constant 0 : i32
        %dma_start3A_106 = arith.constant 0 : i32
        %dma_start3A_107 = tpu.memref_slice %arg6[%rem3A_104, %dma_start3A_105, %dma_start3A_106] : memref<2x128x128xf32, #tpu.memory_space<vmem>> -> memref<1x128x128xf32, #tpu.memory_space<vmem>>
        %dma_start3A_108 = tpu.memref_squeeze %dma_start3A_107 : memref<1x128x128xf32, #tpu.memory_space<vmem>> -> memref<128x128xf32, #tpu.memory_space<vmem>>
        %dma_start3A_109 = arith.constant 0 : i32
        %dma_start3A_110 = tpu.memref_slice %arg2[%mul3A_2, %scan3A_47, %dma_start3A_109] : memref<4096x200x128xf32, #tpu.memory_space<hbm>> -> memref<128x1x128xf32, #tpu.memory_space<hbm>>
        %dma_start3A_111 = tpu.memref_squeeze %dma_start3A_110 : memref<128x1x128xf32, #tpu.memory_space<hbm>> -> memref<128x128xf32, #tpu.memory_space<hbm>>
        %dma_start3A_112 = tpu.memref_slice %arg8[%rem3A_104] : memref<2x!tpu.dma_semaphore, #tpu.memory_space<semaphore_mem>> -> memref<1x!tpu.dma_semaphore, #tpu.memory_space<semaphore_mem>>
        %dma_start3A_113 = tpu.memref_squeeze %dma_start3A_112 : memref<1x!tpu.dma_semaphore, #tpu.memory_space<semaphore_mem>> -> memref<!tpu.dma_semaphore, #tpu.memory_space<semaphore_mem>>
        %dma_start3A_114 = arith.constant 0 : i32
        %dma_start3A_115 = arith.constant 0 : i32
        %dma_start3A_116 = tpu.memref_slice %arg6[%rem3A_104, %dma_start3A_114, %dma_start3A_115] : memref<2x128x128xf32, #tpu.memory_space<vmem>> -> memref<1x128x128xf32, #tpu.memory_space<vmem>>
        %dma_start3A_117 = tpu.memref_squeeze %dma_start3A_116 : memref<1x128x128xf32, #tpu.memory_space<vmem>> -> memref<128x128xf32, #tpu.memory_space<vmem>>
        %dma_start3A_118 = arith.constant 0 : i32
        %dma_start3A_119 = tpu.memref_slice %arg2[%mul3A_2, %scan3A_47, %dma_start3A_118] : memref<4096x200x128xf32, #tpu.memory_space<hbm>> -> memref<128x1x128xf32, #tpu.memory_space<hbm>>
        %dma_start3A_120 = tpu.memref_squeeze %dma_start3A_119 : memref<128x1x128xf32, #tpu.memory_space<hbm>> -> memref<128x128xf32, #tpu.memory_space<hbm>>
        tpu.enqueue_dma source(%dma_start3A_120 : memref<128x128xf32, #tpu.memory_space<hbm>>) target(%dma_start3A_117 : memref<128x128xf32, #tpu.memory_space<vmem>>) target_semaphore(%dma_start3A_113 : memref<!tpu.dma_semaphore, #tpu.memory_space<semaphore_mem>>)
      } else {
      }
      %add3A_52 = arith.constant 1 : i32
      %add3A_53 = arith.addi %scan3A_47, %add3A_52 : i32
      %lt3A = arith.constant 200 : i32
      %lt3A_54 = arith.cmpi slt, %add3A_53, %lt3A : i32
      %convert_element_type3A_55 = arith.extui %lt3A_54 : i1 to i32
      %cond3A_56 = arith.constant 0 : i32
      %cond3A_57 = arith.cmpi ne, %convert_element_type3A_55, %cond3A_56 : i32
      scf.if %cond3A_57 {
        %add3A_103 = arith.constant 1 : i32
        %add3A_104 = arith.addi %scan3A_47, %add3A_103 : i32
        %rem3A_105 = arith.constant 2 : i32
        %rem3A_106 = arith.remsi %add3A_104, %rem3A_105 : i32
        %dma_start3A_107 = arith.constant 0 : i32
        %dma_start3A_108 = arith.constant 0 : i32
        %dma_start3A_109 = tpu.memref_slice %arg6[%rem3A_106, %dma_start3A_107, %dma_start3A_108] : memref<2x128x128xf32, #tpu.memory_space<vmem>> -> memref<1x128x128xf32, #tpu.memory_space<vmem>>
        %dma_start3A_110 = tpu.memref_squeeze %dma_start3A_109 : memref<1x128x128xf32, #tpu.memory_space<vmem>> -> memref<128x128xf32, #tpu.memory_space<vmem>>
        %dma_start3A_111 = arith.constant 0 : i32
        %dma_start3A_112 = tpu.memref_slice %arg2[%mul3A_2, %add3A_104, %dma_start3A_111] : memref<4096x200x128xf32, #tpu.memory_space<hbm>> -> memref<128x1x128xf32, #tpu.memory_space<hbm>>
        %dma_start3A_113 = tpu.memref_squeeze %dma_start3A_112 : memref<128x1x128xf32, #tpu.memory_space<hbm>> -> memref<128x128xf32, #tpu.memory_space<hbm>>
        %dma_start3A_114 = tpu.memref_slice %arg8[%rem3A_106] : memref<2x!tpu.dma_semaphore, #tpu.memory_space<semaphore_mem>> -> memref<1x!tpu.dma_semaphore, #tpu.memory_space<semaphore_mem>>
        %dma_start3A_115 = tpu.memref_squeeze %dma_start3A_114 : memref<1x!tpu.dma_semaphore, #tpu.memory_space<semaphore_mem>> -> memref<!tpu.dma_semaphore, #tpu.memory_space<semaphore_mem>>
        %dma_start3A_116 = arith.constant 0 : i32
        %dma_start3A_117 = arith.constant 0 : i32
        %dma_start3A_118 = tpu.memref_slice %arg6[%rem3A_106, %dma_start3A_116, %dma_start3A_117] : memref<2x128x128xf32, #tpu.memory_space<vmem>> -> memref<1x128x128xf32, #tpu.memory_space<vmem>>
        %dma_start3A_119 = tpu.memref_squeeze %dma_start3A_118 : memref<1x128x128xf32, #tpu.memory_space<vmem>> -> memref<128x128xf32, #tpu.memory_space<vmem>>
        %dma_start3A_120 = arith.constant 0 : i32
        %dma_start3A_121 = tpu.memref_slice %arg2[%mul3A_2, %add3A_104, %dma_start3A_120] : memref<4096x200x128xf32, #tpu.memory_space<hbm>> -> memref<128x1x128xf32, #tpu.memory_space<hbm>>
        %dma_start3A_122 = tpu.memref_squeeze %dma_start3A_121 : memref<128x1x128xf32, #tpu.memory_space<hbm>> -> memref<128x128xf32, #tpu.memory_space<hbm>>
        tpu.enqueue_dma source(%dma_start3A_122 : memref<128x128xf32, #tpu.memory_space<hbm>>) target(%dma_start3A_119 : memref<128x128xf32, #tpu.memory_space<vmem>>) target_semaphore(%dma_start3A_115 : memref<!tpu.dma_semaphore, #tpu.memory_space<semaphore_mem>>)
      } else {
      }
      %ge3A = arith.constant 2 : i32
      %ge3A_58 = arith.cmpi sge, %scan3A_47, %ge3A : i32
      %convert_element_type3A_59 = arith.extui %ge3A_58 : i1 to i32
      %cond3A_60 = arith.constant 0 : i32
      %cond3A_61 = arith.cmpi ne, %convert_element_type3A_59, %cond3A_60 : i32
      scf.if %cond3A_61 {
        %sub3A = arith.constant 2 : i32
        %sub3A_103 = arith.subi %scan3A_47, %sub3A : i32
        %rem3A_104 = arith.constant 2 : i32
        %rem3A_105 = arith.remsi %sub3A_103, %rem3A_104 : i32
        %dma_wait3A_106 = arith.constant 0 : i32
        %dma_wait3A_107 = arith.constant 0 : i32
        %dma_wait3A_108 = tpu.memref_slice %arg7[%rem3A_105, %dma_wait3A_106, %dma_wait3A_107] : memref<2x16x128xf32, #tpu.memory_space<vmem>> -> memref<1x16x128xf32, #tpu.memory_space<vmem>>
        %dma_wait3A_109 = tpu.memref_squeeze %dma_wait3A_108 : memref<1x16x128xf32, #tpu.memory_space<vmem>> -> memref<16x128xf32, #tpu.memory_space<vmem>>
        %dma_wait3A_110 = arith.constant 0 : i32
        %dma_wait3A_111 = tpu.memref_slice %arg4[%sub3A_103, %dma_wait3A_110, %mul3A_2] : memref<200x16x4096xf32, #tpu.memory_space<hbm>> -> memref<1x16x128xf32, #tpu.memory_space<hbm>>
        %dma_wait3A_112 = tpu.memref_squeeze %dma_wait3A_111 : memref<1x16x128xf32, #tpu.memory_space<hbm>> -> memref<16x128xf32, #tpu.memory_space<hbm>>
        %dma_wait3A_113 = tpu.memref_slice %arg9[%rem3A_105] : memref<2x!tpu.dma_semaphore, #tpu.memory_space<semaphore_mem>> -> memref<1x!tpu.dma_semaphore, #tpu.memory_space<semaphore_mem>>
        %dma_wait3A_114 = tpu.memref_squeeze %dma_wait3A_113 : memref<1x!tpu.dma_semaphore, #tpu.memory_space<semaphore_mem>> -> memref<!tpu.dma_semaphore, #tpu.memory_space<semaphore_mem>>
        %dma_wait3A_115 = arith.constant 0 : i32
        %dma_wait3A_116 = tpu.memref_slice %arg4[%sub3A_103, %dma_wait3A_115, %mul3A_2] : memref<200x16x4096xf32, #tpu.memory_space<hbm>> -> memref<1x16x128xf32, #tpu.memory_space<hbm>>
        %dma_wait3A_117 = tpu.memref_squeeze %dma_wait3A_116 : memref<1x16x128xf32, #tpu.memory_space<hbm>> -> memref<16x128xf32, #tpu.memory_space<hbm>>
        %dma_wait3A_118 = arith.constant 0 : i32
        %dma_wait3A_119 = arith.constant 0 : i32
        %dma_wait3A_120 = tpu.memref_slice %arg7[%rem3A_105, %dma_wait3A_118, %dma_wait3A_119] : memref<2x16x128xf32, #tpu.memory_space<vmem>> -> memref<1x16x128xf32, #tpu.memory_space<vmem>>
        %dma_wait3A_121 = tpu.memref_squeeze %dma_wait3A_120 : memref<1x16x128xf32, #tpu.memory_space<vmem>> -> memref<16x128xf32, #tpu.memory_space<vmem>>
        tpu.wait_dma2 semaphore(%dma_wait3A_114 : memref<!tpu.dma_semaphore, #tpu.memory_space<semaphore_mem>>) src(%dma_wait3A_121 : memref<16x128xf32, #tpu.memory_space<vmem>>) dst(%dma_wait3A_117 : memref<16x128xf32, #tpu.memory_space<hbm>>)
      } else {
      }
      %rem3A_62 = arith.constant 2 : i32
      %rem3A_63 = arith.remsi %scan3A_47, %rem3A_62 : i32
      %dma_wait3A_64 = arith.constant 0 : i32
      %dma_wait3A_65 = arith.constant 0 : i32
      %dma_wait3A_66 = tpu.memref_slice %arg6[%rem3A_63, %dma_wait3A_64, %dma_wait3A_65] : memref<2x128x128xf32, #tpu.memory_space<vmem>> -> memref<1x128x128xf32, #tpu.memory_space<vmem>>
      %dma_wait3A_67 = tpu.memref_squeeze %dma_wait3A_66 : memref<1x128x128xf32, #tpu.memory_space<vmem>> -> memref<128x128xf32, #tpu.memory_space<vmem>>
      %dma_wait3A_68 = arith.constant 0 : i32
      %dma_wait3A_69 = tpu.memref_slice %arg2[%mul3A_2, %scan3A_47, %dma_wait3A_68] : memref<4096x200x128xf32, #tpu.memory_space<hbm>> -> memref<128x1x128xf32, #tpu.memory_space<hbm>>
      %dma_wait3A_70 = tpu.memref_squeeze %dma_wait3A_69 : memref<128x1x128xf32, #tpu.memory_space<hbm>> -> memref<128x128xf32, #tpu.memory_space<hbm>>
      %dma_wait3A_71 = tpu.memref_slice %arg8[%rem3A_63] : memref<2x!tpu.dma_semaphore, #tpu.memory_space<semaphore_mem>> -> memref<1x!tpu.dma_semaphore, #tpu.memory_space<semaphore_mem>>
      %dma_wait3A_72 = tpu.memref_squeeze %dma_wait3A_71 : memref<1x!tpu.dma_semaphore, #tpu.memory_space<semaphore_mem>> -> memref<!tpu.dma_semaphore, #tpu.memory_space<semaphore_mem>>
      %dma_wait3A_73 = arith.constant 0 : i32
      %dma_wait3A_74 = arith.constant 0 : i32
      %dma_wait3A_75 = tpu.memref_slice %arg6[%rem3A_63, %dma_wait3A_73, %dma_wait3A_74] : memref<2x128x128xf32, #tpu.memory_space<vmem>> -> memref<1x128x128xf32, #tpu.memory_space<vmem>>
      %dma_wait3A_76 = tpu.memref_squeeze %dma_wait3A_75 : memref<1x128x128xf32, #tpu.memory_space<vmem>> -> memref<128x128xf32, #tpu.memory_space<vmem>>
      %dma_wait3A_77 = arith.constant 0 : i32
      %dma_wait3A_78 = tpu.memref_slice %arg2[%mul3A_2, %scan3A_47, %dma_wait3A_77] : memref<4096x200x128xf32, #tpu.memory_space<hbm>> -> memref<128x1x128xf32, #tpu.memory_space<hbm>>
      %dma_wait3A_79 = tpu.memref_squeeze %dma_wait3A_78 : memref<128x1x128xf32, #tpu.memory_space<hbm>> -> memref<128x128xf32, #tpu.memory_space<hbm>>
      tpu.wait_dma2 semaphore(%dma_wait3A_72 : memref<!tpu.dma_semaphore, #tpu.memory_space<semaphore_mem>>) src(%dma_wait3A_79 : memref<128x128xf32, #tpu.memory_space<hbm>>) dst(%dma_wait3A_76 : memref<128x128xf32, #tpu.memory_space<vmem>>)
      %broadcast_in_dim3A = vector.broadcast %rem3A_49 : i32 to vector<16xi32>
      %scan3A_80 = arith.constant 0 : i32
      %scan3A_81 = arith.constant 0 : i32
      %scan3A_82 = arith.constant 16 : i32
      %scan3A_83 = arith.addi %scan3A_81, %scan3A_82 : i32
      %scan3A_84 = arith.constant 1 : i32
      scf.for %scan3A_103 = %scan3A_81 to %scan3A_83 step %scan3A_84  : i32 {
        %mul3A_104 = arith.constant 8 : i32
        %mul3A_105 = arith.muli %scan3A_103, %mul3A_104 : i32
        %add3A_106 = arith.constant 0 : i32
        %add3A_107 = arith.addi %mul3A_105, %add3A_106 : i32
        %broadcast_in_dim3A_108 = vector.broadcast %add3A_107 : i32 to vector<16xi32>
        %gather3A = tpu.vector_load_idx %arg6[%broadcast_in_dim3A, %broadcast_in_dim3A_108, %get3A_3] : memref<2x128x128xf32, #tpu.memory_space<vmem>>[vector<16xi32>, vector<16xi32>, vector<16xi32>], vector<16xf32>,
        tpu.vector_store_idx %arg7[%broadcast_in_dim3A, %iota3A, %broadcast_in_dim3A_108], %gather3A : memref<2x16x128xf32, #tpu.memory_space<vmem>>[vector<16xi32>, vector<16xi32>, vector<16xi32>], vector<16xf32>,
        %mul3A_109 = arith.constant 8 : i32
        %mul3A_110 = arith.muli %scan3A_103, %mul3A_109 : i32
        %add3A_111 = arith.constant 1 : i32
        %add3A_112 = arith.addi %mul3A_110, %add3A_111 : i32
        %broadcast_in_dim3A_113 = vector.broadcast %add3A_112 : i32 to vector<16xi32>
        %gather3A_114 = tpu.vector_load_idx %arg6[%broadcast_in_dim3A, %broadcast_in_dim3A_113, %get3A_3] : memref<2x128x128xf32, #tpu.memory_space<vmem>>[vector<16xi32>, vector<16xi32>, vector<16xi32>], vector<16xf32>,
        tpu.vector_store_idx %arg7[%broadcast_in_dim3A, %iota3A, %broadcast_in_dim3A_113], %gather3A_114 : memref<2x16x128xf32, #tpu.memory_space<vmem>>[vector<16xi32>, vector<16xi32>, vector<16xi32>], vector<16xf32>,
        %mul3A_115 = arith.constant 8 : i32
        %mul3A_116 = arith.muli %scan3A_103, %mul3A_115 : i32
        %add3A_117 = arith.constant 2 : i32
        %add3A_118 = arith.addi %mul3A_116, %add3A_117 : i32
        %broadcast_in_dim3A_119 = vector.broadcast %add3A_118 : i32 to vector<16xi32>
        %gather3A_120 = tpu.vector_load_idx %arg6[%broadcast_in_dim3A, %broadcast_in_dim3A_119, %get3A_3] : memref<2x128x128xf32, #tpu.memory_space<vmem>>[vector<16xi32>, vector<16xi32>, vector<16xi32>], vector<16xf32>,
        tpu.vector_store_idx %arg7[%broadcast_in_dim3A, %iota3A, %broadcast_in_dim3A_119], %gather3A_120 : memref<2x16x128xf32, #tpu.memory_space<vmem>>[vector<16xi32>, vector<16xi32>, vector<16xi32>], vector<16xf32>,
        %mul3A_121 = arith.constant 8 : i32
        %mul3A_122 = arith.muli %scan3A_103, %mul3A_121 : i32
        %add3A_123 = arith.constant 3 : i32
        %add3A_124 = arith.addi %mul3A_122, %add3A_123 : i32
        %broadcast_in_dim3A_125 = vector.broadcast %add3A_124 : i32 to vector<16xi32>
        %gather3A_126 = tpu.vector_load_idx %arg6[%broadcast_in_dim3A, %broadcast_in_dim3A_125, %get3A_3] : memref<2x128x128xf32, #tpu.memory_space<vmem>>[vector<16xi32>, vector<16xi32>, vector<16xi32>], vector<16xf32>,
        tpu.vector_store_idx %arg7[%broadcast_in_dim3A, %iota3A, %broadcast_in_dim3A_125], %gather3A_126 : memref<2x16x128xf32, #tpu.memory_space<vmem>>[vector<16xi32>, vector<16xi32>, vector<16xi32>], vector<16xf32>,
        %mul3A_127 = arith.constant 8 : i32
        %mul3A_128 = arith.muli %scan3A_103, %mul3A_127 : i32
        %add3A_129 = arith.constant 4 : i32
        %add3A_130 = arith.addi %mul3A_128, %add3A_129 : i32
        %broadcast_in_dim3A_131 = vector.broadcast %add3A_130 : i32 to vector<16xi32>
        %gather3A_132 = tpu.vector_load_idx %arg6[%broadcast_in_dim3A, %broadcast_in_dim3A_131, %get3A_3] : memref<2x128x128xf32, #tpu.memory_space<vmem>>[vector<16xi32>, vector<16xi32>, vector<16xi32>], vector<16xf32>,
        tpu.vector_store_idx %arg7[%broadcast_in_dim3A, %iota3A, %broadcast_in_dim3A_131], %gather3A_132 : memref<2x16x128xf32, #tpu.memory_space<vmem>>[vector<16xi32>, vector<16xi32>, vector<16xi32>], vector<16xf32>,
        %mul3A_133 = arith.constant 8 : i32
        %mul3A_134 = arith.muli %scan3A_103, %mul3A_133 : i32
        %add3A_135 = arith.constant 5 : i32
        %add3A_136 = arith.addi %mul3A_134, %add3A_135 : i32
        %broadcast_in_dim3A_137 = vector.broadcast %add3A_136 : i32 to vector<16xi32>
        %gather3A_138 = tpu.vector_load_idx %arg6[%broadcast_in_dim3A, %broadcast_in_dim3A_137, %get3A_3] : memref<2x128x128xf32, #tpu.memory_space<vmem>>[vector<16xi32>, vector<16xi32>, vector<16xi32>], vector<16xf32>,
        tpu.vector_store_idx %arg7[%broadcast_in_dim3A, %iota3A, %broadcast_in_dim3A_137], %gather3A_138 : memref<2x16x128xf32, #tpu.memory_space<vmem>>[vector<16xi32>, vector<16xi32>, vector<16xi32>], vector<16xf32>,
        %mul3A_139 = arith.constant 8 : i32
        %mul3A_140 = arith.muli %scan3A_103, %mul3A_139 : i32
        %add3A_141 = arith.constant 6 : i32
        %add3A_142 = arith.addi %mul3A_140, %add3A_141 : i32
        %broadcast_in_dim3A_143 = vector.broadcast %add3A_142 : i32 to vector<16xi32>
        %gather3A_144 = tpu.vector_load_idx %arg6[%broadcast_in_dim3A, %broadcast_in_dim3A_143, %get3A_3] : memref<2x128x128xf32, #tpu.memory_space<vmem>>[vector<16xi32>, vector<16xi32>, vector<16xi32>], vector<16xf32>,
        tpu.vector_store_idx %arg7[%broadcast_in_dim3A, %iota3A, %broadcast_in_dim3A_143], %gather3A_144 : memref<2x16x128xf32, #tpu.memory_space<vmem>>[vector<16xi32>, vector<16xi32>, vector<16xi32>], vector<16xf32>,
        %mul3A_145 = arith.constant 8 : i32
        %mul3A_146 = arith.muli %scan3A_103, %mul3A_145 : i32
        %add3A_147 = arith.constant 7 : i32
        %add3A_148 = arith.addi %mul3A_146, %add3A_147 : i32
        %broadcast_in_dim3A_149 = vector.broadcast %add3A_148 : i32 to vector<16xi32>
        %gather3A_150 = tpu.vector_load_idx %arg6[%broadcast_in_dim3A, %broadcast_in_dim3A_149, %get3A_3] : memref<2x128x128xf32, #tpu.memory_space<vmem>>[vector<16xi32>, vector<16xi32>, vector<16xi32>], vector<16xf32>,
        tpu.vector_store_idx %arg7[%broadcast_in_dim3A, %iota3A, %broadcast_in_dim3A_149], %gather3A_150 : memref<2x16x128xf32, #tpu.memory_space<vmem>>[vector<16xi32>, vector<16xi32>, vector<16xi32>], vector<16xf32>,
      }
      %scan3A_85 = arith.constant 16 : i32
      %rem3A_86 = arith.constant 2 : i32
      %rem3A_87 = arith.remsi %scan3A_47, %rem3A_86 : i32
      %dma_start3A = arith.constant 0 : i32
      %dma_start3A_88 = arith.constant 0 : i32
      %dma_start3A_89 = tpu.memref_slice %arg7[%rem3A_87, %dma_start3A, %dma_start3A_88] : memref<2x16x128xf32, #tpu.memory_space<vmem>> -> memref<1x16x128xf32, #tpu.memory_space<vmem>>
      %dma_start3A_90 = tpu.memref_squeeze %dma_start3A_89 : memref<1x16x128xf32, #tpu.memory_space<vmem>> -> memref<16x128xf32, #tpu.memory_space<vmem>>
      %dma_start3A_91 = arith.constant 0 : i32
      %dma_start3A_92 = tpu.memref_slice %arg4[%scan3A_47, %dma_start3A_91, %mul3A_2] : memref<200x16x4096xf32, #tpu.memory_space<hbm>> -> memref<1x16x128xf32, #tpu.memory_space<hbm>>
      %dma_start3A_93 = tpu.memref_squeeze %dma_start3A_92 : memref<1x16x128xf32, #tpu.memory_space<hbm>> -> memref<16x128xf32, #tpu.memory_space<hbm>>
      %dma_start3A_94 = tpu.memref_slice %arg9[%rem3A_87] : memref<2x!tpu.dma_semaphore, #tpu.memory_space<semaphore_mem>> -> memref<1x!tpu.dma_semaphore, #tpu.memory_space<semaphore_mem>>
      %dma_start3A_95 = tpu.memref_squeeze %dma_start3A_94 : memref<1x!tpu.dma_semaphore, #tpu.memory_space<semaphore_mem>> -> memref<!tpu.dma_semaphore, #tpu.memory_space<semaphore_mem>>
      %dma_start3A_96 = arith.constant 0 : i32
      %dma_start3A_97 = tpu.memref_slice %arg4[%scan3A_47, %dma_start3A_96, %mul3A_2] : memref<200x16x4096xf32, #tpu.memory_space<hbm>> -> memref<1x16x128xf32, #tpu.memory_space<hbm>>
      %dma_start3A_98 = tpu.memref_squeeze %dma_start3A_97 : memref<1x16x128xf32, #tpu.memory_space<hbm>> -> memref<16x128xf32, #tpu.memory_space<hbm>>
      %dma_start3A_99 = arith.constant 0 : i32
      %dma_start3A_100 = arith.constant 0 : i32
      %dma_start3A_101 = tpu.memref_slice %arg7[%rem3A_87, %dma_start3A_99, %dma_start3A_100] : memref<2x16x128xf32, #tpu.memory_space<vmem>> -> memref<1x16x128xf32, #tpu.memory_space<vmem>>
      %dma_start3A_102 = tpu.memref_squeeze %dma_start3A_101 : memref<1x16x128xf32, #tpu.memory_space<vmem>> -> memref<16x128xf32, #tpu.memory_space<vmem>>
      tpu.enqueue_dma source(%dma_start3A_102 : memref<16x128xf32, #tpu.memory_space<vmem>>) target(%dma_start3A_98 : memref<16x128xf32, #tpu.memory_space<hbm>>) target_semaphore(%dma_start3A_95 : memref<!tpu.dma_semaphore, #tpu.memory_space<semaphore_mem>>)
    }
    %scan3A_8 = arith.constant 200 : i32
    %rem3A = arith.constant 198 : i32
    %rem3A_9 = arith.constant 2 : i32
    %rem3A_10 = arith.remsi %rem3A, %rem3A_9 : i32
    %dma_wait3A = arith.constant 198 : i32
    %dma_wait3A_11 = arith.constant 0 : i32
    %dma_wait3A_12 = arith.constant 0 : i32
    %dma_wait3A_13 = tpu.memref_slice %arg7[%rem3A_10, %dma_wait3A_11, %dma_wait3A_12] : memref<2x16x128xf32, #tpu.memory_space<vmem>> -> memref<1x16x128xf32, #tpu.memory_space<vmem>>
    %dma_wait3A_14 = tpu.memref_squeeze %dma_wait3A_13 : memref<1x16x128xf32, #tpu.memory_space<vmem>> -> memref<16x128xf32, #tpu.memory_space<vmem>>
    %dma_wait3A_15 = arith.constant 0 : i32
    %dma_wait3A_16 = tpu.memref_slice %arg4[%dma_wait3A, %dma_wait3A_15, %mul3A_2] : memref<200x16x4096xf32, #tpu.memory_space<hbm>> -> memref<1x16x128xf32, #tpu.memory_space<hbm>>
    %dma_wait3A_17 = tpu.memref_squeeze %dma_wait3A_16 : memref<1x16x128xf32, #tpu.memory_space<hbm>> -> memref<16x128xf32, #tpu.memory_space<hbm>>
    %dma_wait3A_18 = tpu.memref_slice %arg9[%rem3A_10] : memref<2x!tpu.dma_semaphore, #tpu.memory_space<semaphore_mem>> -> memref<1x!tpu.dma_semaphore, #tpu.memory_space<semaphore_mem>>
    %dma_wait3A_19 = tpu.memref_squeeze %dma_wait3A_18 : memref<1x!tpu.dma_semaphore, #tpu.memory_space<semaphore_mem>> -> memref<!tpu.dma_semaphore, #tpu.memory_space<semaphore_mem>>
    %dma_wait3A_20 = arith.constant 0 : i32
    %dma_wait3A_21 = tpu.memref_slice %arg4[%dma_wait3A, %dma_wait3A_20, %mul3A_2] : memref<200x16x4096xf32, #tpu.memory_space<hbm>> -> memref<1x16x128xf32, #tpu.memory_space<hbm>>
    %dma_wait3A_22 = tpu.memref_squeeze %dma_wait3A_21 : memref<1x16x128xf32, #tpu.memory_space<hbm>> -> memref<16x128xf32, #tpu.memory_space<hbm>>
    %dma_wait3A_23 = arith.constant 0 : i32
    %dma_wait3A_24 = arith.constant 0 : i32
    %dma_wait3A_25 = tpu.memref_slice %arg7[%rem3A_10, %dma_wait3A_23, %dma_wait3A_24] : memref<2x16x128xf32, #tpu.memory_space<vmem>> -> memref<1x16x128xf32, #tpu.memory_space<vmem>>
    %dma_wait3A_26 = tpu.memref_squeeze %dma_wait3A_25 : memref<1x16x128xf32, #tpu.memory_space<vmem>> -> memref<16x128xf32, #tpu.memory_space<vmem>>
    tpu.wait_dma2 semaphore(%dma_wait3A_19 : memref<!tpu.dma_semaphore, #tpu.memory_space<semaphore_mem>>) src(%dma_wait3A_26 : memref<16x128xf32, #tpu.memory_space<vmem>>) dst(%dma_wait3A_22 : memref<16x128xf32, #tpu.memory_space<hbm>>)
    %rem3A_27 = arith.constant 199 : i32
    %rem3A_28 = arith.constant 2 : i32
    %rem3A_29 = arith.remsi %rem3A_27, %rem3A_28 : i32
    %dma_wait3A_30 = arith.constant 199 : i32
    %dma_wait3A_31 = arith.constant 0 : i32
    %dma_wait3A_32 = arith.constant 0 : i32
    %dma_wait3A_33 = tpu.memref_slice %arg7[%rem3A_29, %dma_wait3A_31, %dma_wait3A_32] : memref<2x16x128xf32, #tpu.memory_space<vmem>> -> memref<1x16x128xf32, #tpu.memory_space<vmem>>
    %dma_wait3A_34 = tpu.memref_squeeze %dma_wait3A_33 : memref<1x16x128xf32, #tpu.memory_space<vmem>> -> memref<16x128xf32, #tpu.memory_space<vmem>>
    %dma_wait3A_35 = arith.constant 0 : i32
    %dma_wait3A_36 = tpu.memref_slice %arg4[%dma_wait3A_30, %dma_wait3A_35, %mul3A_2] : memref<200x16x4096xf32, #tpu.memory_space<hbm>> -> memref<1x16x128xf32, #tpu.memory_space<hbm>>
    %dma_wait3A_37 = tpu.memref_squeeze %dma_wait3A_36 : memref<1x16x128xf32, #tpu.memory_space<hbm>> -> memref<16x128xf32, #tpu.memory_space<hbm>>
    %dma_wait3A_38 = tpu.memref_slice %arg9[%rem3A_29] : memref<2x!tpu.dma_semaphore, #tpu.memory_space<semaphore_mem>> -> memref<1x!tpu.dma_semaphore, #tpu.memory_space<semaphore_mem>>
    %dma_wait3A_39 = tpu.memref_squeeze %dma_wait3A_38 : memref<1x!tpu.dma_semaphore, #tpu.memory_space<semaphore_mem>> -> memref<!tpu.dma_semaphore, #tpu.memory_space<semaphore_mem>>
    %dma_wait3A_40 = arith.constant 0 : i32
    %dma_wait3A_41 = tpu.memref_slice %arg4[%dma_wait3A_30, %dma_wait3A_40, %mul3A_2] : memref<200x16x4096xf32, #tpu.memory_space<hbm>> -> memref<1x16x128xf32, #tpu.memory_space<hbm>>
    %dma_wait3A_42 = tpu.memref_squeeze %dma_wait3A_41 : memref<1x16x128xf32, #tpu.memory_space<hbm>> -> memref<16x128xf32, #tpu.memory_space<hbm>>
    %dma_wait3A_43 = arith.constant 0 : i32
    %dma_wait3A_44 = arith.constant 0 : i32
    %dma_wait3A_45 = tpu.memref_slice %arg7[%rem3A_29, %dma_wait3A_43, %dma_wait3A_44] : memref<2x16x128xf32, #tpu.memory_space<vmem>> -> memref<1x16x128xf32, #tpu.memory_space<vmem>>
    %dma_wait3A_46 = tpu.memref_squeeze %dma_wait3A_45 : memref<1x16x128xf32, #tpu.memory_space<vmem>> -> memref<16x128xf32, #tpu.memory_space<vmem>>
    tpu.wait_dma2 semaphore(%dma_wait3A_39 : memref<!tpu.dma_semaphore, #tpu.memory_space<semaphore_mem>>) src(%dma_wait3A_46 : memref<16x128xf32, #tpu.memory_space<vmem>>) dst(%dma_wait3A_42 : memref<16x128xf32, #tpu.memory_space<hbm>>)
    return
  }
}

</mosaic_0001>

<sc_bundles>
// kernel: kernel.3.cloned.1.call-start
scs
__scs_entry_jumppad:
0x0: {  	(pc) =	sbr.rel $0x88, $3  }
0x1: {  	(tag) =	ssettag $0x0;
	lr =	simm.s32 $0x1  }
0x2: {  	[smem:$0x3FA0] =	sst lr;
	_ =	strace $0xD0000000  }
0x3: {  	_ = 	snop  }
0x4: {  	_ = 	snop  }
0x5: {  	_ = 	snop  }
0x6: {  	_ = 	snop  }
0x7: {  	_ = 	snop  }
__scs_overlays_trampoline_lowered:
0x8: {  	[smem:$0x3FAF] =	sst s0  }
0x9: {  	[smem:$0x3FB0] =	sst s1  }
0xa: {  	[smem:$0x3FB1] =	sst s2  }
0xb: {  	[smem:$0x3FB2] =	sst s3  }
0xc: {  	[smem:$0x3FB3] =	sst s4  }
0xd: {  	[smem:$0x3FB4] =	sst s5  }
0xe: {  	[smem:$0x3FB5] =	sst s6  }
0xf: {  	[smem:$0x3FB6] =	sst s7  }
0x10: {  	[smem:$0x3FB7] =	sst s8  }
0x11: {  	[smem:$0x3FB8] =	sst s9;
	s0 =	simm.s32 @!p0 $0x0  }
0x12: {  	s1 =	sld [smem:$0x3F9E];
	s0 =	simm.s32 @p0 $0x1  }
0x13: {  	[smem:$0x3FB9] =	sst s0;
	s0 =	simm.s32 @!p1 $0x0  }
0x14: {  	s2 =	sld [smem:$0x3F9D];
	s0 =	simm.s32 @p1 $0x1  }
0x15: {  	[smem:$0x3FBA] =	sst s0;
	s0 =	simm.s32 @!p2 $0x0  }
0x16: {  	s3 =	sld [smem:$0x3FDB];
	s0 =	simm.s32 @p2 $0x1  }
0x17: {  	s4 =	simm.s32 $0x1BF5;
	[smem:$0x3FBC] =	sst s0  }
0x18: {  	s0 =	sld [smem:$0x3F9F];
	_ =	swait.ge [sflag:s4], $0x0  }
0x19: {  	s7 =	sld [smem:$0x3FA0]  }
0x1a: {  	s8 =	sadd.s32 $0xFFFFE003, lr  }
0x1b: {  	s9 =	sadd.s32 $0xFFFFFEF7, lr;
	s5 =	simm.s32 $0xFFFFFFFF;
	p2 =	slt.u32 s8, $0xFFFFF086  }
0x1c: {  	p1 =	slt.u32 s9, $0xF7A;
	s5 =	simm.s32 @!p2 $0x0  }
0x1d: {  	s5 =	simm.s32 @p1 $0x1;
	p0 =	seq.s32 s7, s2  }
0x1e: {  	s7 =	smul.u32 @!p0 $0xF7A, s2;
	p2 =	seq.s32 @!p0 s5, $0x0  }
0x1f: {  	s9 =	smul.u32 $0xF7A, s1;
	s8 =	simm.s32 @!p0 $0x1BF5;
	p2 =	por !p2, p0  }
0x20: {  	[sflag:s8] =	ssyncset.s32 @!p0 $0xFFFFF086;
	s6 =	sadd.s32 @!p0 s3, s7;
	s7 =	simm.s32 @!p0 $0x108  }
0x21: {  	s3 =	sadd.s32 s3, s9;
	s6 =	sadd.s32 @!p0 $0x88, s6;
	s7 =	simm.s32 @p2 $0x1082  }
0x22: {  	[simem:s7], [sflag:s8] =	dma.local @!p0 [hbm:s6], $0xF7A  }
0x23: {  	s9 =	sor.u32 $0xD0000000, s2;
	s6 =	simm.s32 $0x108;
	_ =	swait.ge @!p0 [sflag:s8], $0x0  }
0x24: {  	s3 =	sadd.s32 $0x88, s3;
	s6 =	simm.s32 @!p1 $0x1082;
	[sflag:s4] =	ssyncset.s32 $0xFFFFF086  }
0x25: {  	[simem:s6], [sflag:s4] =	dma.local [hbm:s3], $0xF7A  }
0x26: {  	[smem:$0x3FA0] =	sst s1;
	(tag) =	ssettag s2;
	_ =	strace s9  }
0x27: {  	s1 =	sld [smem:$0x3FB0]  }
0x28: {  	s2 =	sld [smem:$0x3FB1]  }
0x29: {  	s4 =	sld [smem:$0x3FB3]  }
0x2a: {  	p0 =	seq.s32 s5, $0x0;
	s5 =	sld [smem:$0x3FB4]  }
0x2b: {  	s6 =	sld [smem:$0x3FB5]  }
0x2c: {  	s7 =	sld [smem:$0x3FB6]  }
0x2d: {  	s3 =	simm.s32 $0x108;
	s8 =	sld [smem:$0x3FB7]  }
0x2e: {  	s3 =	simm.s32 @!p0 $0x1082;
	s9 =	sld [smem:$0x3FB8]  }
0x2f: {  	lr =	sadd.s32 s0, s3;
	s0 =	sld [smem:$0x3FAF]  }
0x30: {  	s3 =	sld [smem:$0x3FB2]  }
0x31: {  	[smem:$0x3FBB] =	sst s10  }
0x32: {  	s10 =	sld [smem:$0x3FB9];
	_ =	sdelay $0x3  }
0x33: {  	p0 =	seq.s32 s10, $0x1;
	s10 =	sld [smem:$0x3FBB];
	_ =	sdelay $0x3  }
0x34: {  	[smem:$0x3FBB] =	sst s10  }
0x35: {  	s10 =	sld [smem:$0x3FBA];
	_ =	sdelay $0x3  }
0x36: {  	p1 =	seq.s32 s10, $0x1;
	s10 =	sld [smem:$0x3FBB];
	_ =	sdelay $0x3  }
0x37: {  	[smem:$0x3FBB] =	sst s10  }
0x38: {  	s10 =	sld [smem:$0x3FBC]  }
0x39: {  	_ = 	snop;
	(pc) =	sbr.ind lr, $3  }
0x3a: {  	_ = 	snop  }
0x3b: {  	_ = 	snop  }
0x3c: {  	p2 =	seq.s32 s10, $0x1;
	s10 =	sld [smem:$0x3FBB]  }
0x3d: {  	_ =	shalt  }
0x3e: {  	_ =	shalt  }
0x3f: {  	_ =	shalt  }
0x40: {  	_ =	shalt  }
0x41: {  	_ =	shalt  }
0x42: {  	_ =	shalt  }
0x43: {  	_ =	shalt  }
0x44: {  	_ =	shalt  }
0x45: {  	_ =	shalt  }
0x46: {  	_ =	shalt  }
0x47: {  	_ =	shalt  }
0x48: {  	_ =	shalt  }
0x49: {  	_ =	shalt  }
0x4a: {  	_ =	shalt  }
0x4b: {  	_ =	shalt  }
0x4c: {  	_ =	shalt  }
0x4d: {  	_ =	shalt  }
0x4e: {  	_ =	shalt  }
0x4f: {  	_ =	shalt  }
0x50: {  	_ =	shalt  }
0x51: {  	_ =	shalt  }
0x52: {  	_ =	shalt  }
0x53: {  	_ =	shalt  }
0x54: {  	_ =	shalt  }
0x55: {  	_ =	shalt  }
0x56: {  	_ =	shalt  }
0x57: {  	_ =	shalt  }
0x58: {  	_ =	shalt  }
0x59: {  	_ =	shalt  }
0x5a: {  	_ =	shalt  }
0x5b: {  	_ =	shalt  }
0x5c: {  	_ =	shalt  }
0x5d: {  	_ =	shalt  }
0x5e: {  	_ =	shalt  }
0x5f: {  	_ =	shalt  }
0x60: {  	_ =	shalt  }
0x61: {  	_ =	shalt  }
0x62: {  	_ =	shalt  }
0x63: {  	_ =	shalt  }
0x64: {  	_ =	shalt  }
0x65: {  	_ =	shalt  }
0x66: {  	_ =	shalt  }
0x67: {  	_ =	shalt  }
0x68: {  	_ =	shalt  }
0x69: {  	_ =	shalt  }
0x6a: {  	_ =	shalt  }
0x6b: {  	_ =	shalt  }
0x6c: {  	_ =	shalt  }
0x6d: {  	_ =	shalt  }
0x6e: {  	_ =	shalt  }
0x6f: {  	_ =	shalt  }
0x70: {  	_ =	shalt  }
0x71: {  	_ =	shalt  }
0x72: {  	_ =	shalt  }
0x73: {  	_ =	shalt  }
0x74: {  	_ =	shalt  }
0x75: {  	_ =	shalt  }
0x76: {  	_ =	shalt  }
0x77: {  	_ =	shalt  }
0x78: {  	_ =	shalt  }
0x79: {  	_ =	shalt  }
0x7a: {  	_ =	shalt  }
0x7b: {  	_ =	shalt  }
0x7c: {  	_ =	shalt  }
0x7d: {  	_ =	shalt  }
0x7e: {  	_ =	shalt  }
0x7f: {  	_ =	shalt  }
0x80: {  	_ =	shalt  }
0x81: {  	_ =	shalt  }
0x82: {  	_ =	shalt  }
0x83: {  	_ =	shalt  }
0x84: {  	_ =	shalt  }
0x85: {  	_ =	shalt  }
0x86: {  	_ =	shalt  }
0x87: {  	_ =	shalt  }
.Lfunc_end0:
.L_simem_size_0:
called_computation_lowered:
.L_overlay_start_0:
0x88: {  	s2 =	sld [smem:$0x3FD9]  }
0x89: {  	s3 =	sld [smem:$0x3FFE];
	_ =	sdelay $0x1  }
0x8a: {  	s1 =	srdreg.scid  }
0x8b: {  	s0 =	sand.u32 $0x1, s1  }
0x8c: {  	s17 =	sshll.u32 s0, $0xA;
	s2 =	sadd.s32 s3, s2  }
0x8d: {  	s2 =	sadd.s32 s2, s17  }
0x8e: {  	[smem:$0x3FC7] =	sst s2  }
0x8f: {  	_ = 	snop  }
0x90: {  	s2 =	sld [smem:$0x3FC9]  }
0x91: {  	s18 =	sld [smem:$0x3FD0];
	(tm) =	ssettm $0x1  }
0x92: {  	s4 =	sld [smem:$0x3FFB];
	_ =	sdelay $0x3  }
0x93: {  	_ =	strace s4  }
0x94: {  	s4 =	sld [smem:$0x3FFC];
	_ =	sdelay $0x3  }
0x95: {  	_ =	strace s4  }
0x96: {  	s4 =	sld [smem:$0x3FFD];
	_ =	sdelay $0x3  }
0x97: {  	_ =	strace s4  }
0x98: {  	_ =	strace $0x8FFFFFFF  }
0x99: {  	s19 =	sld [smem:$0x3FDB];
	_ =	sdelay $0x1  }
0x9a: {  	s5 =	simm.s32 $_scs_section_size  }
0x9b: {  	s6 =	simm.s32 $_size__tile_overlayer_lowered;
	s7 =	simm.s32 $_tile_overlayer_lowered  }
0x9c: {  	s22 =	simm.s32 $0x1BFF;
	s21 =	sshll.u32 s7, $0x1;
	s4 =	sadd.s32 s5, s19  }
0x9d: {  	s8 =	simm.s32 $0x0;
	s20 =	sshll.u32 s6, $0x1;
	s6 =	sadd.s32 s21, s4  }
0x9e: {  	[timem:s8], [sflag:s22] =	dma.local [hbm:s6], s20  }
0x9f: {  	_ =	swait.ge [sflag:s22], s20  }
0xa0: {  	s5 =	ssub.s32 $0x0, s20;
	[sflag:s22] =	ssyncset.done $0x0  }
0xa1: {  	[sflag:s22] =	ssyncadd.s32 s5;
	_ =	sdelay $0x1  }
0xa2: {  	s23 =	simm.s32 $0x1B8B  }
0xa3: {  	_ =	swait.ge [sflag:s23], $0x1  }
0xa4: {  	[sflag:s23] =	ssyncset.done $0x0  }
0xa5: {  	s25 =	simm.s32 $0x1B8E;
	s24 =	sld [smem:$0x3FFE];
	[sflag:s23] =	ssyncadd.s32 $0xFFFFFFFF  }
0xa6: {  	s26 =	simm.s32 $execute0_lowered;
	[smem:$0x3FD2] =	sst s25  }
0xa7: {  	s6 =	sshll.u32 s26, $0x1;
	_ =	strace $0x80000046;
	[dreg:$0x1] =	wrdreg $0xFFFFFFFF  }
0xa8: {  	s28 =	simm.s32 $_size_execute0_lowered;
	s4 =	sadd.s32 s4, s6;
	[dreg:$0x0] =	wrdreg $0x0  }
0xa9: {  	s6 =	sshll.u32 s28, $0x1;
	[dreg:$0x2] =	wrdreg s4  }
0xaa: {  	[dreg:$0x3] =	wrdreg s6  }
0xab: {  	[dreg:$0x4] =	wrdreg $0xC0  }
0xac: {  	_ =	task [dreg:s8], $0x5FFFF  }
0xad: {  	[dreg:$0x1] =	wrdreg $0xFFFFFFFF  }
0xae: {  	[dreg:$0x0] =	wrdreg $0x60  }
0xaf: {  	[dreg:$0x2] =	wrdreg s2  }
0xb0: {  	[dreg:$0x3] =	wrdreg s24  }
0xb1: {  	[dreg:$0x4] =	wrdreg s18  }
0xb2: {  	[dreg:$0x5] =	wrdreg $0x9  }
0xb3: {  	_ =	task.clear_ibuf [dreg:s8], $0x6FFFF;
	_ =	strace $0x90000046  }
0xb4: {  	s29 =	simm.s32 $0x9;
	_ =	strace $0x80000048  }
0xb5: {  	_ =	swait.ge [sflag:s29], $0x1  }
0xb6: {  	[sflag:s29] =	ssyncadd.s32 $0xFFFFFFFF  }
0xb7: {  	_ =	strace $0x90000048  }
0xb8: {  	_ =	sfence  }
0xb9: {  	s30 =	sld [smem:$0x0];
	_ =	sdelay $0x2  }
0xba: {  	s31 =	sshll.u32 s1, $0xD;
	s1 =	sshrl.u32 s1, $0x2  }
0xbb: {  	s3 =	sand.u32 $0x4000, s31;
	s1 =	sadd.s32 s1, s30  }
0xbc: {  	s0 =	sor.u32 s3, s0;
	s1 =	sshll.u32 s1, $0x11  }
0xbd: {  	s0 =	sor.u32 s1, s0  }
0xbe: {  	s0 =	sadd.s32 $0x8F2B, s0  }
0xbf: {  	[sflag:s0] =	ssyncadd.remote.s32 $0x1  }
0xc0: {  	_ =	sfence.sel $0xFFFF  }
0xc1: {  	[dreg:$0x0] =	wrdreg $0xFFFFFFFF;
	(pc) =	sbr.abs _section_cstart, $3  }
0xc2: {  	[dreg:$0x1] =	wrdreg $0xFFFFFFFF  }
0xc3: {  	_ =	task.clear_ibuf [dreg:s8], $0x2FFFF;
	_ =	strace $0x9FFFFFFF  }
0xc4: {  	(tm) =	ssettm $0x7FFFFFFF  }
0xc5: {  	_ =	shalt  }
tec
execute0_lowered:
.L_overlay_start_1:
0x0: {  	(tag) =	ssettag $0x1  }
0x1: {  	s1 =	rddreg [dreg:$0x0]  }
0x2: {  	s4 =	rddreg [dreg:$0x1]  }
0x3: {  	s2 =	srdreg.scid;
	s0 =	stileid.u32  }
0x4: {  	s7 =	rddreg [dreg:$0x2];
	s3 =	simm.s32 $0x0;
	s10 =	simm.s32 $0x6400  }
0x5: {  	s11 =	simm.s32 $0x80;
	s12 =	simm.s32 $0x8080;
	s13 =	simm.s32 $0x400  }
0x6: {  	s14 =	simm.s32 $0x8000;
	s15 =	simm.s32 $0x3;
	s16 =	simm.s32 $0x4  }
0x7: {  	s17 =	simm.s32 $0x0;
	s5 =	sand.u32 $0x1, s2;
	s2 =	rddreg [dreg:$0x3]  }
0x8: {  	s6 =	sshll.u32 s0, $0x1;
	[smem:$0x7FF] =	sst s3;
	s4 =	sadd.s32 $0x400, s4  }
0x9: {  	s6 =	sor.u32 s5, s6;
	s5 =	ssub.s32 $0x2, s5;
	_ =	strace $0x80000047  }
0xa: {  	s8 =	smul.u32 $0x64000, s6;
	s9 =	sshrl.u32 s5, $0x1;
	s31 =	sshll.u32 s6, $0x7  }
0xb: {  	v0 =	vlaneseq.u32;
	s6 =	smul.u32 $0x320000, s6;
	s9 =	ssub.s32 s5, s9;
	s7 =	sadd.s32 s7, s31  }
0xc: {  	v0 =	vmul.u32 $0x80, v0;
	s5 =	sadd.s32 s1, s8;
	s8 =	smax.u32 s9, $0x1;
	s9 =	simm.s32 $0x5  }
.LBB2_1:
0xd: {  	[tilespmem:s3], [sflag:$0x5] =	stream.linear.gather [hbm4b:s4+s3], $0x80, $0x38;
	[tilespmem:$0x9080] =	vst v63  }
0xe: {  	_ =	swait.ge [sflag:s9], $0x80  }
0xf: {  	[sflag:s9] =	ssyncset.done $0x0  }
0x10: {  	[sflag:s9] =	ssyncadd.s32 $0xFFFFFF80  }
0x11: {  	s18 =	simm.s32 $0x0;
	v1 =	vld [tilespmem:$0x0]  }
.LBB2_2:
0x12: {  	p0 =	sne.s32 s18, $0x0  }
.Ltmp0:
0x13: {  	_ = 	snop;
	(pc) =	sbr.rel @!p0 .LBB2_3-.Ltmp0, $3  }
0x14: {  	_ =	sdelay $0x1  }
0x15: {  	s19 =	sand.u32 $0x1, s18  }
0x16: {  	s21 =	sadd.s32 $0x1, s19  }
0x17: {  	p0 =	seq.s32 s18, $0xC7  }
.Ltmp1:
0x18: {  	_ = 	snop;
	(pc) =	sbr.rel @p0 .LBB2_7-.Ltmp1, $2  }
0x19: {  	_ =	sdelay $0x2  }
0x1a: {  	s20 =	simm.s32 $0xC8  }
.Ltmp2:
0x1b: {  	(pc) =	sbr.rel .LBB2_6-.Ltmp2, $2  }
0x1c: {  	_ =	sdelay $0x2  }
0x1d: {  	s20 =	sadd.s32 $0x1, s18  }
.LBB2_3:
0x1e: {  	[tilespmem:s11], [sflag:s21] =	stream.strided.gather [hbm4b:s5+s11], $0x4000, s10, s11, $0x38;
	[tilespmem:$0x9080] =	vst v63  }
0x1f: {  	s20 =	simm.s32 $0x1  }
.LBB2_6:
0x20: {  	s22 =	sshll.u32 s20, $0x7;
	p0 =	slt.u32 s18, $0x2  }
.Ltmp3:
0x21: {  	s22 =	sand.u32 $0xFF80, s22;
	(pc) =	sbr.rel @p0 .LBB2_8-.Ltmp3, $4  }
0x22: {  	s23 =	sand.u32 $0x1, s20;
	s22 =	sor.u32 s6, s22  }
0x23: {  	s24 =	sshll.u32 s23, $0xE;
	s22 =	sshrl.u32 s22, $0x3  }
0x24: {  	s23 =	sadd.s32 $0x1, s23;
	s24 =	sor.u32 $0x80, s24;
	s22 =	sadd.s32 s1, s22  }
0x25: {  	[tilespmem:s24], [sflag:s23] =	stream.strided.gather [hbm4b:s22+s11], $0x4000, s10, s11, $0x38;
	[tilespmem:$0x9080] =	vst v63  }
.LBB2_7:
0x26: {  	s22 =	sadd.s32 $0x3, s19  }
0x27: {  	_ =	swait.ge [sflag:s22], $0x800  }
0x28: {  	[sflag:s22] =	ssyncset.done $0x0  }
0x29: {  	[sflag:s22] =	ssyncadd.s32 $0xFFFFF800  }
.LBB2_8:
0x2a: {  	v3 =	vmov s19;
	s22 =	simm.s32 $0x0  }
0x2b: {  	v2 =	vshll.u32 v3, $0xE;
	v4 =	vmov s22  }
0x2c: {  	v2 =	vadd.s32 v2, v1;
	v4 =	vshll.u32 v4, $0x7  }
0x2d: {  	v4 =	vadd.s32 v4, v2;
	_ =	sdelay $0x1  }
0x2e: {  	_ =	swait.ge [sflag:s21], $0x4000  }
0x2f: {  	s23 =	simm.s32 $0x1;
	[sflag:s21] =	ssyncset.done $0x0;
	v3 =	vshll.u32 v3, $0xB  }
0x30: {  	v5 =	vmov s23;
	[sflag:s21] =	ssyncadd.s32 $0xFFFFC000;
	v3 =	vor.u32 v0, v3  }
0x31: {  	v5 =	vshll.u32 v5, $0x7;
	v6 =	vor.u32 s22, v3;
	v4 =	vld.idx.msk [tilespmem:v4+s11+$0x0], $0xffff  }
0x32: {  	v5 =	vadd.s32 v5, v2;
	_ =	sdelay $0x2  }
0x33: {  	s26 =	simm.s32 $0x2  }
0x34: {  	[tilespmem:v6+s12+$0x0] =	vst.idx.msk $0xffff, v4;
	v4 =	vmov s26  }
0x35: {  	v6 =	vor.u32 s23, v3;
	v5 =	vld.idx.msk [tilespmem:v5+s11+$0x0], $0xffff;
	v4 =	vshll.u32 v4, $0x7  }
0x36: {  	v4 =	vadd.s32 v4, v2;
	_ =	sdelay $0x2  }
0x37: {  	s28 =	simm.s32 $0x3  }
0x38: {  	[tilespmem:v6+s12+$0x0] =	vst.idx.msk $0xffff, v5;
	v5 =	vmov s28  }
0x39: {  	v6 =	vor.u32 s26, v3;
	v4 =	vld.idx.msk [tilespmem:v4+s11+$0x0], $0xffff;
	v5 =	vshll.u32 v5, $0x7  }
0x3a: {  	v5 =	vadd.s32 v5, v2;
	_ =	sdelay $0x2  }
0x3b: {  	s29 =	simm.s32 $0x4  }
0x3c: {  	[tilespmem:v6+s12+$0x0] =	vst.idx.msk $0xffff, v4;
	v4 =	vmov s29  }
0x3d: {  	v6 =	vor.u32 s28, v3;
	v5 =	vld.idx.msk [tilespmem:v5+s11+$0x0], $0xffff;
	v4 =	vshll.u32 v4, $0x7  }
0x3e: {  	v4 =	vadd.s32 v4, v2;
	_ =	sdelay $0x2  }
0x3f: {  	s30 =	simm.s32 $0x5  }
0x40: {  	[tilespmem:v6+s12+$0x0] =	vst.idx.msk $0xffff, v5;
	v5 =	vmov s30  }
0x41: {  	v6 =	vor.u32 s29, v3;
	v4 =	vld.idx.msk [tilespmem:v4+s11+$0x0], $0xffff;
	v5 =	vshll.u32 v5, $0x7  }
0x42: {  	v5 =	vadd.s32 v5, v2;
	_ =	sdelay $0x2  }
0x43: {  	s31 =	simm.s32 $0x6  }
0x44: {  	[tilespmem:v6+s12+$0x0] =	vst.idx.msk $0xffff, v4;
	v4 =	vmov s31  }
0x45: {  	v6 =	vor.u32 s30, v3;
	v5 =	vld.idx.msk [tilespmem:v5+s11+$0x0], $0xffff;
	v4 =	vshll.u32 v4, $0x7  }
0x46: {  	v4 =	vadd.s32 v4, v2;
	_ =	sdelay $0x3  }
0x47: {  	s22 =	simm.s32 $0x7;
	[tilespmem:v6+s12+$0x0] =	vst.idx.msk $0xffff, v5  }
0x48: {  	v5 =	vld.idx.msk [tilespmem:v4+s11+$0x0], $0xffff;
	v4 =	vmov s22  }
0x49: {  	v6 =	vor.u32 s31, v3;
	v4 =	vshll.u32 v4, $0x7  }
0x4a: {  	v4 =	vadd.s32 v4, v2;
	_ =	sdelay $0x3  }
0x4b: {  	s24 =	simm.s32 $0x8;
	s21 =	simm.s32 $0xF;
	s23 =	simm.s32 $0x17;
	[tilespmem:v6+s12+$0x0] =	vst.idx.msk $0xffff, v5  }
.LBB2_9:
0x4c: {  	p0 =	sne.s32 s23, $0x7F;
	v5 =	vmov s24;
	v4 =	vld.idx.msk [tilespmem:v4+s11+$0x0], $0xffff  }
0x4d: {  	v6 =	vor.u32 s22, v3;
	s22 =	smov.u32 s21;
	s21 =	smov.u32 s23;
	v5 =	vshll.u32 v5, $0x7  }
0x4e: {  	v5 =	vadd.s32 v5, v2;
	_ =	sdelay $0x3  }
0x4f: {  	s25 =	sadd.s32 $0xFFFFFFFA, s22;
	[tilespmem:v6+s12+$0x0] =	vst.idx.msk $0xffff, v4  }
0x50: {  	v4 =	vld.idx.msk [tilespmem:v5+s11+$0x0], $0xffff;
	v5 =	vmov s25  }
0x51: {  	v6 =	vor.u32 s24, v3;
	v5 =	vshll.u32 v5, $0x7  }
0x52: {  	v5 =	vadd.s32 v5, v2;
	_ =	sdelay $0x3  }
0x53: {  	s24 =	sadd.s32 $0xFFFFFFFB, s22;
	[tilespmem:v6+s12+$0x0] =	vst.idx.msk $0xffff, v4  }
0x54: {  	v4 =	vld.idx.msk [tilespmem:v5+s11+$0x0], $0xffff;
	v5 =	vmov s24  }
0x55: {  	v6 =	vor.u32 s25, v3;
	v5 =	vshll.u32 v5, $0x7  }
0x56: {  	v5 =	vadd.s32 v5, v2;
	_ =	sdelay $0x3  }
0x57: {  	s25 =	sadd.s32 $0xFFFFFFFC, s22;
	[tilespmem:v6+s12+$0x0] =	vst.idx.msk $0xffff, v4  }
0x58: {  	v4 =	vld.idx.msk [tilespmem:v5+s11+$0x0], $0xffff;
	v5 =	vmov s25  }
0x59: {  	v6 =	vor.u32 s24, v3;
	v5 =	vshll.u32 v5, $0x7  }
0x5a: {  	v5 =	vadd.s32 v5, v2;
	_ =	sdelay $0x3  }
0x5b: {  	s24 =	sadd.s32 $0xFFFFFFFD, s22;
	[tilespmem:v6+s12+$0x0] =	vst.idx.msk $0xffff, v4  }
0x5c: {  	v4 =	vld.idx.msk [tilespmem:v5+s11+$0x0], $0xffff;
	v5 =	vmov s24  }
0x5d: {  	v6 =	vor.u32 s25, v3;
	v5 =	vshll.u32 v5, $0x7  }
0x5e: {  	v5 =	vadd.s32 v5, v2;
	_ =	sdelay $0x3  }
0x5f: {  	s25 =	sadd.s32 $0xFFFFFFFE, s22;
	[tilespmem:v6+s12+$0x0] =	vst.idx.msk $0xffff, v4  }
0x60: {  	v4 =	vld.idx.msk [tilespmem:v5+s11+$0x0], $0xffff;
	v5 =	vmov s25  }
0x61: {  	v6 =	vor.u32 s24, v3;
	v5 =	vshll.u32 v5, $0x7  }
0x62: {  	v5 =	vadd.s32 v5, v2;
	_ =	sdelay $0x3  }
0x63: {  	s24 =	sadd.s32 $0xFFFFFFFF, s22;
	[tilespmem:v6+s12+$0x0] =	vst.idx.msk $0xffff, v4  }
0x64: {  	v4 =	vld.idx.msk [tilespmem:v5+s11+$0x0], $0xffff;
	v5 =	vmov s24  }
0x65: {  	v6 =	vor.u32 s25, v3;
	v5 =	vshll.u32 v5, $0x7  }
0x66: {  	v5 =	vadd.s32 v5, v2;
	_ =	sdelay $0x3  }
0x67: {  	[tilespmem:v6+s12+$0x0] =	vst.idx.msk $0xffff, v4  }
0x68: {  	v4 =	vmov s22;
	v5 =	vld.idx.msk [tilespmem:v5+s11+$0x0], $0xffff  }
0x69: {  	v6 =	vor.u32 s24, v3;
	v4 =	vshll.u32 v4, $0x7  }
.Ltmp4:
0x6a: {  	v4 =	vadd.s32 v4, v2;
	(pc) =	sbr.rel @p0 .LBB2_9-.Ltmp4, $2  }
0x6b: {  	_ =	sdelay $0x2  }
0x6c: {  	s23 =	sadd.s32 $0x8, s23;
	s24 =	sadd.s32 $0xFFFFFFF9, s21;
	[tilespmem:v6+s12+$0x0] =	vst.idx.msk $0xffff, v5  }
0x6d: {  	_ =	sdelay $0x2  }
0x6e: {  	v5 =	vmov s24  }
0x6f: {  	v4 =	vld.idx.msk [tilespmem:v4+s11+$0x0], $0xffff;
	v6 =	vor.u32 s22, v3;
	v5 =	vshll.u32 v5, $0x7  }
0x70: {  	v5 =	vadd.s32 v5, v2;
	_ =	sdelay $0x2  }
0x71: {  	s31 =	sadd.s32 $0xFFFFFFFA, s21  }
0x72: {  	v50 =	vmov s31;
	[tilespmem:v6+s12+$0x0] =	vst.idx.msk $0xffff, v4  }
0x73: {  	v51 =	vor.u32 s24, v3;
	v4 =	vshll.u32 v50, $0x7;
	v5 =	vld.idx.msk [tilespmem:v5+s11+$0x0], $0xffff  }
0x74: {  	v4 =	vadd.s32 v4, v2;
	_ =	sdelay $0x2  }
0x75: {  	s23 =	sadd.s32 $0xFFFFFFFB, s21  }
0x76: {  	v52 =	vmov s23;
	[tilespmem:v51+s12+$0x0] =	vst.idx.msk $0xffff, v5  }
0x77: {  	v53 =	vor.u32 s31, v3;
	v5 =	vshll.u32 v52, $0x7;
	v4 =	vld.idx.msk [tilespmem:v4+s11+$0x0], $0xffff  }
0x78: {  	v5 =	vadd.s32 v5, v2;
	_ =	sdelay $0x2  }
0x79: {  	s25 =	sadd.s32 $0xFFFFFFFC, s21  }
0x7a: {  	v54 =	vmov s25;
	[tilespmem:v53+s12+$0x0] =	vst.idx.msk $0xffff, v4  }
0x7b: {  	v55 =	vor.u32 s23, v3;
	v4 =	vshll.u32 v54, $0x7;
	v5 =	vld.idx.msk [tilespmem:v5+s11+$0x0], $0xffff  }
0x7c: {  	v4 =	vadd.s32 v4, v2;
	_ =	sdelay $0x2  }
0x7d: {  	s26 =	sadd.s32 $0xFFFFFFFD, s21  }
0x7e: {  	v56 =	vmov s26;
	[tilespmem:v55+s12+$0x0] =	vst.idx.msk $0xffff, v5  }
0x7f: {  	v57 =	vor.u32 s25, v3;
	v5 =	vshll.u32 v56, $0x7;
	v4 =	vld.idx.msk [tilespmem:v4+s11+$0x0], $0xffff  }
0x80: {  	v5 =	vadd.s32 v5, v2;
	_ =	sdelay $0x2  }
0x81: {  	s28 =	sadd.s32 $0xFFFFFFFE, s21  }
0x82: {  	v58 =	vmov s28;
	[tilespmem:v57+s12+$0x0] =	vst.idx.msk $0xffff, v4  }
0x83: {  	v59 =	vor.u32 s26, v3;
	v4 =	vshll.u32 v58, $0x7;
	v5 =	vld.idx.msk [tilespmem:v5+s11+$0x0], $0xffff  }
0x84: {  	v4 =	vadd.s32 v4, v2;
	_ =	sdelay $0x2  }
0x85: {  	s29 =	sadd.s32 $0xFFFFFFFF, s21  }
0x86: {  	v60 =	vmov s29;
	[tilespmem:v59+s12+$0x0] =	vst.idx.msk $0xffff, v5  }
0x87: {  	v61 =	vor.u32 s28, v3;
	v5 =	vshll.u32 v60, $0x7;
	v4 =	vld.idx.msk [tilespmem:v4+s11+$0x0], $0xffff  }
0x88: {  	v5 =	vadd.s32 v5, v2;
	_ =	sdelay $0x3  }
0x89: {  	v62 =	vmov s21;
	[tilespmem:v61+s12+$0x0] =	vst.idx.msk $0xffff, v4  }
0x8a: {  	v63 =	vor.u32 s29, v3;
	v4 =	vshll.u32 v62, $0x7;
	v5 =	vld.idx.msk [tilespmem:v5+s11+$0x0], $0xffff  }
0x8b: {  	v2 =	vadd.s32 v4, v2;
	_ =	sdelay $0x3  }
0x8c: {  	[tilespmem:v63+s12+$0x0] =	vst.idx.msk $0xffff, v5  }
0x8d: {  	v3 =	vor.u32 s21, v3;
	v2 =	vld.idx.msk [tilespmem:v2+s11+$0x0], $0xffff;
	_ =	sdelay $0x1  }
0x8e: {  	p0 =	slt.u32 s20, $0xC8  }
.Ltmp5:
0x8f: {  	_ = 	snop;
	(pc) =	sbr.rel @p0 .LBB2_2-.Ltmp5, $4  }
0x90: {  	s18 =	sshll.u32 s18, $0xD;
	s30 =	sshll.u32 s19, $0xB  }
0x91: {  	s31 =	sadd.s32 $0x3, s19;
	s18 =	sadd.s32 s18, s7;
	s21 =	sor.u32 $0x8080, s30;
	[tilespmem:v3+s12+$0x0] =	vst.idx.msk $0xffff, v2  }
0x92: {  	[hbm4b:s18+s13] =	stream.strided.scatter [tilespmem:s21], [sflag:s31], $0x800, s14, s13, $0x38;
	[tilespmem:$0x9080] =	vst v63  }
0x93: {  	s18 =	smov.u32 s20  }
0x94: {  	s17 =	sadd.s32 $0x1, s17  }
0x95: {  	_ =	swait.ge [sflag:s15], $0x800;
	p0 =	sne.s32 s17, s8  }
.Ltmp6:
0x96: {  	[sflag:s15] =	ssyncset.done $0x0;
	(pc) =	sbr.rel @p0 .LBB2_1-.Ltmp6, $4  }
0x97: {  	[sflag:s15] =	ssyncadd.s32 $0xFFFFF800  }
0x98: {  	_ =	swait.ge [sflag:s16], $0x800  }
0x99: {  	[sflag:s16] =	ssyncset.done $0x0  }
0x9a: {  	[sflag:s16] =	ssyncadd.s32 $0xFFFFF800  }
0x9b: {  	_ =	sfence.sel $0x180000  }
0x9c: {  	[bflag:$0x0] =	sbarrier.arrive $0xFFFF  }
0x9d: {  	p0 =	sne.s32 s0, $0x0;
	_ =	strace $0x90000047  }
0x9e: {  	s0 =	sadd.s32 @!p0 $0x100000, s2;
	[bflag:$0x2] =	sbarrier.arrive $0xFFFF  }
0x9f: {  	[sflag:s0] =	ssyncadd.tile.s32 @!p0 $0x1;
	_ =	shalt  }
.Lfunc_end2:
_tile_overlayer_lowered:
.L_overlay_start_2:
0xa0: {  	(tag) =	ssettag $0x2  }
0xa1: {  	s0 =	rddreg [dreg:$0x0];
	s2 =	stileid.u32  }
0xa2: {  	s1 =	rddreg [dreg:$0x1];
	p0 =	sne.s32 s2, $0x0  }
0xa3: {  	s3 =	rddreg [dreg:$0x2];
	[bflag:$0x3] =	sbarrier.arrive $0xFFFF;
	s2 =	simm.s32 @!p0 $0x1C05  }
0xa4: {  	[timem:s3], [sflag:s2] =	dma.local @!p0 [hbm:s0], s1  }
0xa5: {  	s0 =	simm.s32 @!p0 $0x5  }
0xa6: {  	_ =	swait.ge @!p0 [sflag:s0], s1  }
0xa7: {  	s1 =	ssub.s32 @!p0 $0x0, s1;
	[sflag:s0] =	ssyncset.done @!p0 $0x0  }
0xa8: {  	[sflag:s0] =	ssyncadd.s32 @!p0 s1  }
0xa9: {  	[bflag:$0x3] =	sbarrier.arrive $0xFFFF  }
0xaa: {  	_ =	shalt  }

</sc_bundles>
